<compile_context>
chip_gen: v7x
topology: tpu7x:2x2x1
jax: 0.10.2.dev20260603
libtpu: 0.0.44.dev20260713+nightly
codegen_flags: <defaults>
</compile_context>

<pallas_src>
import jax
import jax.numpy as jnp
from jax.experimental import pallas as pl

_NUM_CATEGORIES = 256
_BATCH_BLOCK = 16
_PERIOD = 3200
_TPERIOD = 16


def _one_hot_block(idx_ref, out_ref):
    v = idx_ref[...]
    s = jax.lax.broadcasted_iota(jnp.int32, (1, 1, _PERIOD), 2)
    p = s // 200
    t = jax.lax.broadcasted_iota(jnp.int32, (1, _TPERIOD, 1), 1)
    target = p + t * _TPERIOD
    out_ref[...] = (v[:, None, :] == target).astype(jnp.float32)


def kernel(indices):
    batch, seq = indices.shape
    bblk = _BATCH_BLOCK
    idx_tiled = jnp.tile(indices, (1, _PERIOD // seq))
    out_flat = pl.pallas_call(
        _one_hot_block,
        grid=(batch // bblk,),
        in_specs=[pl.BlockSpec((bblk, _PERIOD), lambda i: (i, 0))],
        out_specs=pl.BlockSpec((bblk, _TPERIOD, _PERIOD), lambda i: (i, 0, 0)),
        out_shape=jax.ShapeDtypeStruct((batch, _TPERIOD, _PERIOD), jnp.float32),
    )(idx_tiled)
    return out_flat.reshape(batch, _NUM_CATEGORIES, seq)

# --- scband reference (transcript-rebuilt; emitter-appended) ---
"""Pipeline reference for scband-one-hot-12292196402043 (READ-ONLY COPY).

The authoritative reference and input builder live on the scoring server;
editing this copy changes nothing except your own understanding.
"""

import jax, jax.numpy as jnp
import numpy as np

NUM_CATEGORIES = 256

def setup_inputs(seed: int = 0) -> dict:
    key = jax.random.key(seed)
    indices = jax.random.randint(key, (1024, 200), 0, NUM_CATEGORIES, dtype=jnp.int64 if jax.config.jax_enable_x64 else jnp.int32)
    return {"indices": indices}

def reference(indices) -> jnp.ndarray:
    # Faithful translation of OneHot.forward:
    # out[b, c, l] = 1 if indices[b, l] == c else 0 (scatter-overwrite along dim=1)
    batch_size, sequence_length = indices.shape
    one_hot = jnp.zeros((batch_size, NUM_CATEGORIES, sequence_length), dtype=jnp.float32)
    b_idx = jnp.arange(batch_size)[:, None]
    l_idx = jnp.arange(sequence_length)[None, :]
    one_hot = one_hot.at[b_idx, indices, l_idx].set(1.0)
    return one_hot

if __name__ == "__main__":
    import jax
    _d = setup_inputs()
    print(jax.jit(kernel)(*tuple(_d.values())))

</pallas_src>

<mosaic_0001>
module attributes {stable_mosaic.version = 14 : i64} {
  func.func @_one_hot_block(%arg0: i32, %arg1: memref<16x3200xi32, #tpu.memory_space<vmem>>, %arg2: memref<16x16x3200xf32, #tpu.memory_space<vmem>>) attributes {dimension_semantics = [#tpu.dimension_semantics<arbitrary>], iteration_bounds = array<i64: 64>, scalar_prefetch = 0 : i64, scratch_operands = 0 : i64, tpu.core_type = #tpu.core_type<tc>, window_params = [{transform_indices = @transform_0, window_bounds = array<i64: 16, 3200>}, {transform_indices = @transform_1, window_bounds = array<i64: 16, 16, 3200>}]} {
    %get3A = arith.constant 0 : index
    %get3A_0 = arith.constant 0 : index
    %get3A_1 = vector.load %arg1[%get3A, %get3A_0] : memref<16x3200xi32, #tpu.memory_space<vmem>>, vector<16x3200xi32>
    %iota3A = tpu.iota {dimensions = array<i32: 2>} : vector<1x1x3200xi32>
    %jit3A = arith.constant 200 : i32
    %div3A = vector.broadcast %jit3A : i32 to vector<1x1x3200xi32>
    %div3A_2 = arith.divsi %iota3A, %div3A : vector<1x1x3200xi32>
    %sign3A = arith.constant 0 : i32
    %sign3A_3 = vector.broadcast %sign3A : i32 to vector<1x1x3200xi32>
    %sign3A_4 = arith.cmpi sgt, %iota3A, %sign3A_3 : vector<1x1x3200xi32>
    %sign3A_5 = arith.extui %sign3A_4 : vector<1x1x3200xi1> to vector<1x1x3200xi32>
    %sign3A_6 = arith.constant 0 : i32
    %sign3A_7 = vector.broadcast %sign3A_6 : i32 to vector<1x1x3200xi32>
    %sign3A_8 = arith.cmpi slt, %iota3A, %sign3A_7 : vector<1x1x3200xi32>
    %sign3A_9 = arith.extui %sign3A_8 : vector<1x1x3200xi1> to vector<1x1x3200xi32>
    %sign3A_10 = arith.subi %sign3A_5, %sign3A_9 : vector<1x1x3200xi32>
    %sign3A_11 = arith.constant 0 : i32
    %sign3A_12 = arith.cmpi sgt, %jit3A, %sign3A_11 : i32
    %sign3A_13 = arith.extui %sign3A_12 : i1 to i32
    %sign3A_14 = arith.constant 0 : i32
    %sign3A_15 = arith.cmpi slt, %jit3A, %sign3A_14 : i32
    %sign3A_16 = arith.extui %sign3A_15 : i1 to i32
    %sign3A_17 = arith.subi %sign3A_13, %sign3A_16 : i32
    %ne3A = vector.broadcast %sign3A_17 : i32 to vector<1x1x3200xi32>
    %ne3A_18 = arith.cmpi ne, %sign3A_10, %ne3A : vector<1x1x3200xi32>
    %rem3A = vector.broadcast %jit3A : i32 to vector<1x1x3200xi32>
    %rem3A_19 = arith.remsi %iota3A, %rem3A : vector<1x1x3200xi32>
    %ne3A_20 = arith.constant 0 : i32
    %ne3A_21 = vector.broadcast %ne3A_20 : i32 to vector<1x1x3200xi32>
    %ne3A_22 = arith.cmpi ne, %rem3A_19, %ne3A_21 : vector<1x1x3200xi32>
    %and3A = arith.andi %ne3A_18, %ne3A_22 : vector<1x1x3200xi1>
    %sub3A = arith.constant 1 : i32
    %sub3A_23 = vector.broadcast %sub3A : i32 to vector<1x1x3200xi32>
    %sub3A_24 = arith.subi %div3A_2, %sub3A_23 : vector<1x1x3200xi32>
    %select_n3A = arith.select %and3A, %sub3A_24, %div3A_2 : vector<1x1x3200xi1>, vector<1x1x3200xi32>
    %iota3A_25 = tpu.iota {dimensions = array<i32: 1>} : vector<1x16x1xi32>
    %mul3A = arith.constant 16 : i32
    %mul3A_26 = vector.broadcast %mul3A : i32 to vector<1x16x1xi32>
    %mul3A_27 = arith.muli %iota3A_25, %mul3A_26 : vector<1x16x1xi32>
    %add3A = vector.broadcast %select_n3A : vector<1x1x3200xi32> to vector<1x16x3200xi32>
    %add3A_28 = vector.broadcast %mul3A_27 : vector<1x16x1xi32> to vector<1x16x3200xi32>
    %add3A_29 = arith.addi %add3A, %add3A_28 : vector<1x16x3200xi32>
    %broadcast_in_dim3A = vector.shape_cast %get3A_1 : vector<16x3200xi32> to vector<16x1x3200xi32>
    %eq3A = vector.broadcast %broadcast_in_dim3A : vector<16x1x3200xi32> to vector<16x16x3200xi32>
    %eq3A_30 = vector.broadcast %add3A_29 : vector<1x16x3200xi32> to vector<16x16x3200xi32>
    %eq3A_31 = arith.cmpi eq, %eq3A, %eq3A_30 : vector<16x16x3200xi32>
    %convert_element_type3A = arith.extui %eq3A_31 : vector<16x16x3200xi1> to vector<16x16x3200xi32>
    %convert_element_type3A_32 = arith.sitofp %convert_element_type3A : vector<16x16x3200xi32> to vector<16x16x3200xf32>
    %swap3A = arith.constant 0 : index
    %swap3A_33 = arith.constant 0 : index
    %swap3A_34 = arith.constant 0 : index
    %swap3A_35 = vector.load %arg2[%swap3A, %swap3A_33, %swap3A_34] : memref<16x16x3200xf32, #tpu.memory_space<vmem>>, vector<16x16x3200xf32>
    tpu.vector_store %arg2[%swap3A, %swap3A_33, %swap3A_34], %convert_element_type3A_32 {strides = array<i32>} : memref<16x16x3200xf32, #tpu.memory_space<vmem>>, vector<16x16x3200xf32>,
    return
  }
  func.func @transform_0(%arg0: i32) -> (i32, i32) {
    %c0_i32 = arith.constant 0 : i32
    %c0_i32_0 = arith.constant 0 : i32
    return %arg0, %c0_i32 : i32, i32
  }
  func.func @transform_1(%arg0: i32) -> (i32, i32, i32) {
    %c0_i32 = arith.constant 0 : i32
    %c0_i32_0 = arith.constant 0 : i32
    %c0_i32_1 = arith.constant 0 : i32
    return %arg0, %c0_i32, %c0_i32_0 : i32, i32, i32
  }
}

</mosaic_0001>

<sc_bundles>
// kernel: sparse-core-data-format-call.cloned.1.call-start
scs
called_computation_lowered:
.L_overlay_start_0:
0x0: {  	s2 =	sld [smem:$0x3FD9]  }
0x1: {  	s3 =	sld [smem:$0x3FFE];
	_ =	sdelay $0x1  }
0x2: {  	s1 =	srdreg.scid  }
0x3: {  	s0 =	sand.u32 $0x1, s1  }
0x4: {  	s18 =	sshll.u32 s0, $0xA;
	s2 =	sadd.s32 s3, s2  }
0x5: {  	s2 =	sadd.s32 s2, s18  }
0x6: {  	[smem:$0x3FC7] =	sst s2  }
0x7: {  	_ = 	snop  }
0x8: {  	s2 =	sld [smem:$0x3FD0];
	(tm) =	ssettm $0x1  }
0x9: {  	s19 =	sld [smem:$0x3FFB];
	_ =	sdelay $0x3  }
0xa: {  	_ =	strace s19  }
0xb: {  	s3 =	sld [smem:$0x3FFC];
	_ =	sdelay $0x3  }
0xc: {  	_ =	strace s3  }
0xd: {  	s3 =	sld [smem:$0x3FFD];
	_ =	sdelay $0x3  }
0xe: {  	_ =	strace s3  }
0xf: {  	_ =	strace $0x8FFFFFFF  }
0x10: {  	s20 =	sld [smem:$0x3FDB];
	_ =	sdelay $0x1  }
0x11: {  	s4 =	simm.s32 $_scs_section_size  }
0x12: {  	s5 =	simm.s32 $_size__tile_overlayer_lowered;
	s6 =	simm.s32 $_tile_overlayer_lowered  }
0x13: {  	s23 =	simm.s32 $0x1BFF;
	s22 =	sshll.u32 s6, $0x1;
	s3 =	sadd.s32 s4, s20  }
0x14: {  	s7 =	simm.s32 $0x0;
	s21 =	sshll.u32 s5, $0x1;
	s5 =	sadd.s32 s22, s3  }
0x15: {  	[timem:s7], [sflag:s23] =	dma.local [hbm:s5], s21  }
0x16: {  	_ =	swait.ge [sflag:s23], s21  }
0x17: {  	s4 =	ssub.s32 $0x0, s21;
	[sflag:s23] =	ssyncset.done $0x0  }
0x18: {  	[sflag:s23] =	ssyncadd.s32 s4;
	_ =	sdelay $0x1  }
0x19: {  	s24 =	simm.s32 $0x1B8B  }
0x1a: {  	_ =	swait.ge [sflag:s24], $0x1  }
0x1b: {  	[sflag:s24] =	ssyncset.done $0x0  }
0x1c: {  	s26 =	simm.s32 $0x1B8E;
	s25 =	sld [smem:$0x3FFE];
	[sflag:s24] =	ssyncadd.s32 $0xFFFFFFFF  }
0x1d: {  	s27 =	simm.s32 $execute0_lowered;
	[smem:$0x3FD2] =	sst s26  }
0x1e: {  	s5 =	sshll.u32 s27, $0x1;
	_ =	strace $0x80000046;
	[dreg:$0x1] =	wrdreg $0xFFFFFFFF  }
0x1f: {  	s28 =	simm.s32 $_size_execute0_lowered;
	s3 =	sadd.s32 s3, s5;
	[dreg:$0x0] =	wrdreg $0x0  }
0x20: {  	s5 =	sshll.u32 s28, $0x1;
	[dreg:$0x2] =	wrdreg s3  }
0x21: {  	[dreg:$0x3] =	wrdreg s5  }
0x22: {  	[dreg:$0x4] =	wrdreg $0xC0  }
0x23: {  	_ =	task [dreg:s7], $0x5FFFF  }
0x24: {  	[dreg:$0x1] =	wrdreg $0xFFFFFFFF  }
0x25: {  	[dreg:$0x0] =	wrdreg $0x60  }
0x26: {  	[dreg:$0x2] =	wrdreg s25  }
0x27: {  	[dreg:$0x3] =	wrdreg s2  }
0x28: {  	[dreg:$0x4] =	wrdreg $0x9  }
0x29: {  	_ =	task.clear_ibuf [dreg:s7], $0x5FFFF;
	_ =	strace $0x90000046  }
0x2a: {  	s29 =	simm.s32 $0x9;
	_ =	strace $0x80000048  }
0x2b: {  	_ =	swait.ge [sflag:s29], $0x1  }
0x2c: {  	[sflag:s29] =	ssyncadd.s32 $0xFFFFFFFF  }
0x2d: {  	_ =	strace $0x90000048  }
0x2e: {  	_ =	sfence  }
0x2f: {  	s30 =	sld [smem:$0x0];
	_ =	sdelay $0x2  }
0x30: {  	s31 =	sshll.u32 s1, $0xD;
	s1 =	sshrl.u32 s1, $0x2  }
0x31: {  	s3 =	sand.u32 $0x4000, s31;
	s1 =	sadd.s32 s1, s30  }
0x32: {  	s0 =	sor.u32 s3, s0;
	s1 =	sshll.u32 s1, $0x11  }
0x33: {  	s0 =	sor.u32 s1, s0  }
0x34: {  	s0 =	sadd.s32 $0x8F2B, s0  }
0x35: {  	[sflag:s0] =	ssyncadd.remote.s32 $0x1  }
0x36: {  	_ =	sfence.sel $0xFFFF  }
0x37: {  	[dreg:$0x0] =	wrdreg $0xFFFFFFFF;
	(pc) =	sbr.abs _section_cstart, $3  }
0x38: {  	[dreg:$0x1] =	wrdreg $0xFFFFFFFF  }
0x39: {  	_ =	task.clear_ibuf [dreg:s7], $0x2FFFF;
	_ =	strace $0x9FFFFFFF  }
0x3a: {  	(tm) =	ssettm $0x7FFFFFFF  }
0x3b: {  	_ =	shalt  }
tec
execute0_lowered:
.L_overlay_start_1:
0x0: {  	(tag) =	ssettag $0x1  }
0x1: {  	s0 =	stileid.u32  }
0x2: {  	s1 =	srdreg.scid;
	s8 =	rddreg [dreg:$0x0];
	s31 =	simm.s32 $0x2  }
0x3: {  	s16 =	simm.s32 $0x0;
	s17 =	simm.s32 $0x0;
	s15 =	simm.s32 $0x0  }
0x4: {  	s14 =	simm.s32 $0x0;
	s2 =	sshll.u32 s1, $0x4;
	s3 =	sshll.u32 s0, $0x7  }
0x5: {  	s1 =	rddreg [dreg:$0x1];
	s28 =	sshrl.u32 s0, $0x1;
	s8 =	sadd.s32 $0x400, s8  }
0x6: {  	s4 =	sand.u32 $0x10, s2;
	s2 =	sand.u32 $0x80, s3;
	s3 =	sand.u32 $0x1, s28  }
0x7: {  	s9 =	sor.u32 s0, s4;
	s5 =	ssub.s32 $0x100, s2;
	s29 =	ssub.s32 $0xC8, s3  }
0x8: {  	s4 =	sshll.u32 s9, $0x5;
	s6 =	sshrl.u32 s5, $0x7;
	s5 =	sshrl.u32 s5, $0x8  }
0x9: {  	s10 =	sshrl.u32 s29, $0x1;
	s4 =	sand.u32 $0x380, s4;
	s6 =	sand.u32 $0x1, s6  }
0xa: {  	s5 =	sadd.s32 s5, s6;
	s7 =	ssub.s32 $0x400, s4;
	s6 =	sand.u32 $0x1, s29  }
0xb: {  	s12 =	smov.u32 s3;
	s11 =	sand.u32 $0x380, s7;
	s6 =	sadd.s32 s6, s10  }
0xc: {  	s10 =	simm.s32 $0x1;
	p0 =	sne.s32 s11, $0x0;
	s30 =	smul.u32 s6, s5  }
.Ltmp0:
0xd: {  	s7 =	sshrl.u32 s7, $0xA;
	s10 =	simm.s32 @!p0 $0x0;
	(pc) =	sbr.rel .LBB1_1-.Ltmp0, $4  }
0xe: {  	s13 =	smov.u32 s2;
	s5 =	rddreg [dreg:$0x2];
	s7 =	sadd.s32 s10, s7  }
0xf: {  	_ =	strace $0x80000047;
	s6 =	simm.s32 $0x1;
	s7 =	smul.u32 s7, s30  }
0x10: {  	s9 =	sshll.u32 s9, $0x8;
	s11 =	simm.s32 $0xC800;
	[sflag:s6] =	ssyncpa.u1 $0x0  }
0x11: {  	p0 =	por $0x0, $0x0;
	[sflag:s31] =	ssyncpa.u1 $0x0;
	s10 =	sadd.s32 $0x1, s7  }
.LBB1_4:
0x12: {  	s23 =	sshll.u32 s17, $0x8;
	s24 =	sshll.u32 s15, $0x3;
	v5 =	vld [tilespmem:s21+$0xFFFFFFD0];
	[tilespmem:s20+$0x2040 ss:$0x81] =	vst.msk $0xffff, v4  }
0x13: {  	s25 =	sshll.u32 s17, $0x7;
	v58 =	vld [tilespmem:s21+$0xFFFFFFE0];
	[tilespmem:s20+$0x2850 ss:$0x81] =	vst.msk $0xffff, v3;
	s23 =	sand.u32 $0xFFFFF800, s23;
	s24 =	sand.u32 $0xFFFFFC00, s24  }
0x14: {  	s22 =	sshra.s32 s22, $0x2;
	v59 =	vld [tilespmem:s21+$0xFFFFFFF0];
	[tilespmem:s20+$0x3060 ss:$0x81] =	vst.msk $0xffff, v2;
	s26 =	sand.u32 $0x300, s25;
	s23 =	sadd.s32 s24, s23  }
0x15: {  	v60 =	vld [tilespmem:s21+$0x0];
	[tilespmem:s20+$0x0 ss:$0x81] =	vst.msk $0xffff, v0;
	s19 =	sadd.s32 s22, s19;
	s23 =	sor.u32 s26, s23  }
0x16: {  	v61 =	vld [tilespmem:s21+$0x10];
	[tilespmem:s19+$0x3870 ss:$0x81] =	vst.msk $0xffff, v1;
	s27 =	sshrl.u32 s23, $0x8  }
0x17: {  	v62 =	vld [tilespmem:s21+$0x20];
	s28 =	smulhi.u32 $0x147AE15, s27;
	[tilespmem:s19+$0x810 ss:$0x81] =	vst.msk $0xffff, v5  }
0x18: {  	v63 =	vld [tilespmem:s21+$0xFFFFFFC0];
	s16 =	smul.u32 $0x1900, s16;
	[tilespmem:s19+$0x1020 ss:$0x81] =	vst.msk $0xffff, v58  }
0x19: {  	s30 =	sand.u32 $0x78, s15;
	s17 =	sand.u32 $0x80, s25;
	[tilespmem:s19+$0x1830 ss:$0x81] =	vst.msk $0xffff, v59;
	s29 =	smul.u32 $0xC8, s28  }
0x1a: {  	s31 =	sand.u32 $0x7, s15;
	s17 =	sor.u32 s30, s17;
	[tilespmem:s19+$0x2040 ss:$0x81] =	vst.msk $0xffff, v60  }
0x1b: {  	s16 =	sadd.s32 s1, s16;
	s17 =	sshrl.u32 s17, $0x3;
	[tilespmem:s19+$0x2850 ss:$0x81] =	vst.msk $0xffff, v61;
	s20 =	ssub.s32 s27, s29  }
0x1c: {  	s15 =	sshll.u32 s31, $0x12;
	s16 =	sadd.s32 s17, s16;
	[tilespmem:s19+$0x3060 ss:$0x81] =	vst.msk $0xffff, v62;
	s20 =	sshll.u32 s20, $0x5  }
0x1d: {  	s15 =	sor.u32 $0x80, s15;
	[tilespmem:s19+$0x0 ss:$0x81] =	vst.msk $0xffff, v63;
	s16 =	sadd.s32 s20, s16  }
0x1e: {  	[hbm4b:s16+s15] =	stream.strided.scatter [tilespmem:s18], [sflag:$0x2], $0x4000, s11, s15, $0x20;
	[tilespmem:$0x10100] =	vst v63  }
.LBB1_5:
0x1f: {  	s18 =	sadd.s32 $0x2, s12  }
0x20: {  	s15 =	sadd.s32 $0x100, s13;
	s19 =	smov.u32 s13;
	p2 =	sgt.s32 s18, $0xC7  }
0x21: {  	s19 =	smov.u32 @p2 s15  }
0x22: {  	s18 =	smov.u32 @p2 s3;
	p2 =	sgt.s32 s19, $0xFF  }
0x23: {  	s19 =	smov.u32 @p2 s2;
	p2 =	sne.s32 s14, s10  }
.Ltmp1:
0x24: {  	p1 =	slt.u32 s14, $0x2;
	(pc) =	sbr.rel @!p2 .LBB1_6-.Ltmp1, $4  }
0x25: {  	s17 =	smov.u32 s12;
	s16 =	simm.s32 @!p1 $0x2  }
0x26: {  	p0 =	por !p0, !p0;
	_ =	swait.ge @!p1 [sflag:s16], $0x4000;
	s15 =	smov.u32 s13  }
0x27: {  	[sflag:s16] =	ssyncset.done @!p1 $0x0;
	s12 =	smov.u32 s18;
	s14 =	sadd.s32 $0x1, s14  }
0x28: {  	[sflag:s16] =	ssyncadd.s32 @!p1 $0xFFFFC000;
	s16 =	smov.u32 s4;
	s13 =	smov.u32 s19  }
.LBB1_1:
0x29: {  	p1 =	sge.u32 s14, s7  }
0x2a: {  	s18 =	sshll.u32 @!p1 s12, $0xA  }
0x2b: {  	s18 =	sand.u32 @!p1 $0xFFFFE000, s18  }
0x2c: {  	s18 =	sor.u32 @!p1 s9, s18  }
0x2d: {  	s18 =	sshrl.u32 @!p1 s18, $0xA  }
0x2e: {  	s19 =	smulhi.u32 @!p1 $0x147AE15, s18;
	_ =	sdelay $0x1  }
0x2f: {  	s19 =	smul.u32 @!p1 $0xC8, s19  }
0x30: {  	s31 =	sadd.s32 $0xFFFFFFFF, s14;
	s20 =	smul.u32 @!p1 $0x6400, s13  }
0x31: {  	s21 =	sxor.u32 @!p1 $0xFFFFFFFF, s14;
	s18 =	ssub.s32 @!p1 s18, s19;
	s19 =	sshll.u32 @!p1 s12, $0x4  }
0x32: {  	s21 =	sshll.u32 @!p1 s21, $0xE;
	s20 =	sadd.s32 @!p1 s8, s20;
	s19 =	sand.u32 @!p1 $0x70, s19  }
0x33: {  	s21 =	sand.u32 @!p1 $0x4000, s21;
	s18 =	sshll.u32 @!p1 s18, $0x7;
	s19 =	sadd.s32 @!p1 s19, s20  }
0x34: {  	s20 =	simm.s32 @!p1 $0x32000;
	s18 =	sadd.s32 @!p1 s18, s19;
	s19 =	simm.s32 @!p1 $0x80  }
0x35: {  	[tilespmem:s21], [sflag:$0x1] =	stream.strided.gather @!p1 [hbm4b:s18+s19], $0x4000, s20, s19, $0x38;
	[tilespmem:$0x10100] =	vst v63  }
0x36: {  	p1 =	sge.u32 s31, s7  }
.Ltmp2:
0x37: {  	_ = 	snop;
	(pc) =	sbr.rel @p1 .LBB1_5-.Ltmp2, $1  }
0x38: {  	_ =	sdelay $0x3  }
0x39: {  	s18 =	simm.s32 $0x1  }
0x3a: {  	_ =	swait.ge [sflag:s6], $0x4000;
	s18 =	simm.s32 @!p0 $0x0  }
0x3b: {  	[sflag:s6] =	ssyncset.done $0x0;
	s19 =	sshll.u32 s18, $0xE  }
0x3c: {  	[sflag:s6] =	ssyncadd.s32 $0xFFFFC000;
	s21 =	sor.u32 $0x40, s19  }
0x3d: {  	s18 =	smul.u32 $0x10200, s18;
	v0 =	vld [tilespmem:s21+$0x30]  }
0x3e: {  	v1 =	vld [tilespmem:s21+$0xFFFFFFD0]  }
0x3f: {  	s18 =	sshrl.u32 s18, $0x2;
	v5 =	vld [tilespmem:s21+$0xFFFFFFE0]  }
0x40: {  	v6 =	vld [tilespmem:s21+$0xFFFFFFF0];
	s19 =	sor.u32 $0x8000, s18  }
0x41: {  	s31 =	sand.u32 $0x1, s14;
	v4 =	vld [tilespmem:s21+$0x0];
	s20 =	sadd.s32 $0x0, s19  }
0x42: {  	v3 =	vld [tilespmem:s21+$0x10];
	s18 =	smul.u32 $0x10200, s31;
	[tilespmem:s20+$0x3870 ss:$0x81] =	vst.msk $0xffff, v0  }
0x43: {  	v2 =	vld [tilespmem:s21+$0x20];
	[tilespmem:s20+$0x810 ss:$0x81] =	vst.msk $0xffff, v1  }
0x44: {  	s18 =	sshrl.u32 s18, $0x2;
	v0 =	vld [tilespmem:s21+$0xFFFFFFC0];
	[tilespmem:s20+$0x1020 ss:$0x81] =	vst.msk $0xffff, v5;
	s21 =	sadd.s32 $0x80, s21  }
0x45: {  	s22 =	simm.s32 $0x4;
	s23 =	simm.s32 $0x8;
	s18 =	sor.u32 $0x8000, s18;
	[tilespmem:s20+$0x1830 ss:$0x81] =	vst.msk $0xffff, v6;
	v1 =	vld [tilespmem:s21+$0x30]  }
.LBB1_3:
0x46: {  	p1 =	sne.s32 s23, $0x1FC;
	v5 =	vld [tilespmem:s21+$0xFFFFFFD0];
	[tilespmem:s20+$0x2040 ss:$0x81] =	vst.msk $0xffff, v4  }
0x47: {  	v6 =	vld [tilespmem:s21+$0xFFFFFFE0];
	[tilespmem:s20+$0x2850 ss:$0x81] =	vst.msk $0xffff, v3  }
0x48: {  	s24 =	sshra.s32 s22, $0x2;
	s22 =	smov.u32 s23;
	v7 =	vld [tilespmem:s21+$0xFFFFFFF0];
	[tilespmem:s20+$0x3060 ss:$0x81] =	vst.msk $0xffff, v2  }
.Ltmp3:
0x49: {  	v4 =	vld [tilespmem:s21+$0x0];
	[tilespmem:s20+$0x0 ss:$0x81] =	vst.msk $0xffff, v0;
	s20 =	sadd.s32 s24, s19;
	(pc) =	sbr.rel @p1 .LBB1_3-.Ltmp3, $4  }
0x4a: {  	v3 =	vld [tilespmem:s21+$0x10];
	[tilespmem:s20+$0x3870 ss:$0x81] =	vst.msk $0xffff, v1  }
0x4b: {  	[tilespmem:s20+$0x810 ss:$0x81] =	vst.msk $0xffff, v5;
	v2 =	vld [tilespmem:s21+$0x20]  }
0x4c: {  	v0 =	vld [tilespmem:s21+$0xFFFFFFC0];
	[tilespmem:s20+$0x1020 ss:$0x81] =	vst.msk $0xffff, v6;
	s21 =	sadd.s32 $0x80, s21  }
0x4d: {  	s23 =	sadd.s32 $0x4, s23;
	v1 =	vld [tilespmem:s21+$0x30];
	[tilespmem:s20+$0x1830 ss:$0x81] =	vst.msk $0xffff, v7  }
.Ltmp4:
0x4e: {  	_ = 	snop;
	(pc) =	sbr.rel .LBB1_4-.Ltmp4, $1  }
0x4f: {  	_ =	sdelay $0x3  }
.LBB1_6:
0x50: {  	_ =	sfence.sel $0x180000  }
0x51: {  	s1 =	simm.s32 $0x1;
	[bflag:$0x0] =	sbarrier.arrive $0xFFFF  }
0x52: {  	s31 =	simm.s32 $0x2;
	[sflag:s1] =	ssyncpa.u1 $0x1  }
0x53: {  	[sflag:s31] =	ssyncpa.u1 $0x1  }
0x54: {  	p0 =	sne.s32 s0, $0x0;
	_ =	strace $0x90000047  }
0x55: {  	s0 =	sadd.s32 @!p0 $0x100000, s5;
	[bflag:$0x2] =	sbarrier.arrive $0xFFFF  }
0x56: {  	[sflag:s0] =	ssyncadd.tile.s32 @!p0 $0x1;
	_ =	shalt  }
.Lfunc_end1:
_tile_overlayer_lowered:
.L_overlay_start_2:
0x57: {  	(tag) =	ssettag $0x2  }
0x58: {  	s0 =	rddreg [dreg:$0x0];
	s2 =	stileid.u32  }
0x59: {  	s1 =	rddreg [dreg:$0x1];
	p0 =	sne.s32 s2, $0x0  }
0x5a: {  	s3 =	rddreg [dreg:$0x2];
	[bflag:$0x3] =	sbarrier.arrive $0xFFFF;
	s2 =	simm.s32 @!p0 $0x1C01  }
0x5b: {  	[timem:s3], [sflag:s2] =	dma.local @!p0 [hbm:s0], s1  }
0x5c: {  	s0 =	simm.s32 @!p0 $0x1  }
0x5d: {  	_ =	swait.ge @!p0 [sflag:s0], s1  }
0x5e: {  	s1 =	ssub.s32 @!p0 $0x0, s1;
	[sflag:s0] =	ssyncset.done @!p0 $0x0  }
0x5f: {  	[sflag:s0] =	ssyncadd.s32 @!p0 s1  }
0x60: {  	[bflag:$0x3] =	sbarrier.arrive $0xFFFF  }
0x61: {  	_ =	shalt  }

</sc_bundles>
